<compile_context>
chip_gen: v7x
topology: tpu7x:2x2x1
jax: 0.10.2.dev20260603
libtpu: 0.0.44.dev20260713+nightly
codegen_flags: <defaults>
</compile_context>

<pallas_src>
import functools

import jax
import jax.numpy as jnp
from jax import lax
from jax.experimental import pallas as pl
from jax.experimental.pallas import tpu as pltpu
from jax.experimental.pallas import tpu_sc as plsc

_NC = 2
_NS = 16
_LANES = 16


def _make_sc_kernel(bs, flat):
    nw = _NC * _NS
    b_per_w = bs // nw
    rep = 4
    n_dma = b_per_w // rep
    mesh = plsc.VectorSubcoreMesh(core_axis_name="c", subcore_axis_name="s")

    @functools.partial(
        pl.kernel,
        mesh=mesh,
        out_type=jax.ShapeDtypeStruct((bs, flat), jnp.float32),
        scratch_types=[
            pltpu.VMEM((rep, flat), jnp.float32),
            pltpu.SemaphoreType.DMA,
        ],
    )
    def sc_k(qpw_hbm, q_hbm, out_hbm, rep_v, sem):
        wid = lax.axis_index("s") * _NC + lax.axis_index("c")
        pltpu.sync_copy(qpw_hbm, rep_v.at[0])
        pltpu.sync_copy(q_hbm, rep_v.at[1])

        def add_body(i, carry):
            sl = pl.ds(i * _LANES, _LANES)
            v = rep_v[0, sl] + rep_v[1, sl]
            rep_v[0, sl] = v
            rep_v[1, sl] = v
            rep_v[2, sl] = v
            rep_v[3, sl] = v
            return carry

        lax.fori_loop(0, flat // _LANES, add_body, 0)
        base = wid * b_per_w
        copies = [
            pltpu.make_async_copy(
                rep_v, out_hbm.at[pl.ds(base + j * rep, rep)], sem
            )
            for j in range(n_dma)
        ]
        for c in copies:
            c.start()
        for c in copies:
            c.wait()

    return sc_k


def kernel(x, query_pos_weight, queries):
    bs = x.shape[0]
    n_query, embed_dim = query_pos_weight.shape
    flat = n_query * embed_dim
    qpw = query_pos_weight.reshape(flat)
    q = queries.reshape(flat)
    out = _make_sc_kernel(bs, flat)(qpw, q)
    return out.reshape(bs, n_query, embed_dim)

# --- scband reference (transcript-rebuilt; emitter-appended) ---
"""Pipeline reference for scband-query-embedding-26139170963763 (READ-ONLY COPY).

The authoritative reference and input builder live on the scoring server;
editing this copy changes nothing except your own understanding.
"""

import jax, jax.numpy as jnp
import numpy as np


def setup_inputs(seed: int = 0) -> dict:
    key = jax.random.key(seed)
    k1, k2 = jax.random.split(key)
    x = jax.random.normal(k1, (1024, 256), dtype=jnp.float32)
    query_pos_weight = jax.random.normal(k2, (100, 256), dtype=jnp.float32)
    queries = jnp.zeros((1, 100, 256), dtype=jnp.float32)
    return {"x": x, "query_pos_weight": query_pos_weight, "queries": queries}


def reference(x, query_pos_weight, queries):
    bs = x.shape[0]
    n_query, embed_dim = query_pos_weight.shape
    # obj_query = self.queries.expand(bs, -1, -1)
    obj_query = jnp.broadcast_to(queries, (bs, n_query, embed_dim))
    # query_pos = self.query_pos.weight.unsqueeze(0).expand(bs, -1, -1)
    query_pos = jnp.broadcast_to(query_pos_weight[None, :, :], (bs, n_query, embed_dim))
    output = obj_query + query_pos
    return output

if __name__ == "__main__":
    import jax
    _d = setup_inputs()
    print(jax.jit(kernel)(*tuple(_d.values())))

</pallas_src>

<mosaic_0001>
#map = affine_map<(d0, d1) -> (0)>
#map1 = affine_map<(d0, d1) -> (0, 0)>
module attributes {stable_mosaic.version = 14 : i64} {
  func.func @sc_k(%arg0: i32, %arg1: i32, %arg2: memref<25600xf32, #tpu.memory_space<hbm>>, %arg3: memref<25600xf32, #tpu.memory_space<hbm>>, %arg4: memref<1024x25600xf32, #tpu.memory_space<hbm>>, %arg5: memref<4x25600xf32, #tpu.memory_space<vmem>>, %arg6: memref<!tpu.dma_semaphore, #tpu.memory_space<semaphore_mem>>) attributes {dimension_semantics = [#tpu.dimension_semantics<core_parallel>, #tpu.dimension_semantics<subcore_parallel>], iteration_bounds = array<i64: 2, 16>, scalar_prefetch = 0 : i64, scratch_operands = 2 : i64, tpu.core_type = #tpu.core_type<sc_vector_subcore>, window_params = [{transform_indices = #map}, {transform_indices = #map}, {transform_indices = #map1}]} {
    %mul3A = arith.constant 2 : i32
    %mul3A_0 = arith.muli %arg1, %mul3A : i32
    %add3A = arith.addi %mul3A_0, %arg0 : i32
    %run_scoped3A = arith.constant 0 : i32
    "tpu.region"() ({
      %run_scoped3A_87 = tpu.sem_alloc : memref<!tpu.dma_semaphore, #tpu.memory_space<semaphore_mem>>
      %dma_start3A_88 = arith.constant 0 : i32
      %dma_start3A_89 = tpu.memref_slice %arg5[%run_scoped3A, %dma_start3A_88] : memref<4x25600xf32, #tpu.memory_space<vmem>> -> memref<1x25600xf32, #tpu.memory_space<vmem>>
      %dma_start3A_90 = tpu.memref_squeeze %dma_start3A_89 : memref<1x25600xf32, #tpu.memory_space<vmem>> -> memref<25600xf32, #tpu.memory_space<vmem>>
      %dma_start3A_91 = arith.constant 0 : i32
      %dma_start3A_92 = tpu.memref_slice %arg5[%run_scoped3A, %dma_start3A_91] : memref<4x25600xf32, #tpu.memory_space<vmem>> -> memref<1x25600xf32, #tpu.memory_space<vmem>>
      %dma_start3A_93 = tpu.memref_squeeze %dma_start3A_92 : memref<1x25600xf32, #tpu.memory_space<vmem>> -> memref<25600xf32, #tpu.memory_space<vmem>>
      tpu.enqueue_dma source(%arg2 : memref<25600xf32, #tpu.memory_space<hbm>>) target(%dma_start3A_93 : memref<25600xf32, #tpu.memory_space<vmem>>) target_semaphore(%run_scoped3A_87 : memref<!tpu.dma_semaphore, #tpu.memory_space<semaphore_mem>>)
      %dma_wait3A_94 = arith.constant 0 : i32
      %dma_wait3A_95 = tpu.memref_slice %arg5[%run_scoped3A, %dma_wait3A_94] : memref<4x25600xf32, #tpu.memory_space<vmem>> -> memref<1x25600xf32, #tpu.memory_space<vmem>>
      %dma_wait3A_96 = tpu.memref_squeeze %dma_wait3A_95 : memref<1x25600xf32, #tpu.memory_space<vmem>> -> memref<25600xf32, #tpu.memory_space<vmem>>
      %dma_wait3A_97 = arith.constant 0 : i32
      %dma_wait3A_98 = tpu.memref_slice %arg5[%run_scoped3A, %dma_wait3A_97] : memref<4x25600xf32, #tpu.memory_space<vmem>> -> memref<1x25600xf32, #tpu.memory_space<vmem>>
      %dma_wait3A_99 = tpu.memref_squeeze %dma_wait3A_98 : memref<1x25600xf32, #tpu.memory_space<vmem>> -> memref<25600xf32, #tpu.memory_space<vmem>>
      tpu.wait_dma2 semaphore(%run_scoped3A_87 : memref<!tpu.dma_semaphore, #tpu.memory_space<semaphore_mem>>) src(%arg2 : memref<25600xf32, #tpu.memory_space<hbm>>) dst(%dma_wait3A_99 : memref<25600xf32, #tpu.memory_space<vmem>>)
      tpu.yield
    }) : () -> ()
    %run_scoped3A_1 = arith.constant 1 : i32
    "tpu.region"() ({
      %run_scoped3A_87 = tpu.sem_alloc : memref<!tpu.dma_semaphore, #tpu.memory_space<semaphore_mem>>
      %dma_start3A_88 = arith.constant 0 : i32
      %dma_start3A_89 = tpu.memref_slice %arg5[%run_scoped3A_1, %dma_start3A_88] : memref<4x25600xf32, #tpu.memory_space<vmem>> -> memref<1x25600xf32, #tpu.memory_space<vmem>>
      %dma_start3A_90 = tpu.memref_squeeze %dma_start3A_89 : memref<1x25600xf32, #tpu.memory_space<vmem>> -> memref<25600xf32, #tpu.memory_space<vmem>>
      %dma_start3A_91 = arith.constant 0 : i32
      %dma_start3A_92 = tpu.memref_slice %arg5[%run_scoped3A_1, %dma_start3A_91] : memref<4x25600xf32, #tpu.memory_space<vmem>> -> memref<1x25600xf32, #tpu.memory_space<vmem>>
      %dma_start3A_93 = tpu.memref_squeeze %dma_start3A_92 : memref<1x25600xf32, #tpu.memory_space<vmem>> -> memref<25600xf32, #tpu.memory_space<vmem>>
      tpu.enqueue_dma source(%arg3 : memref<25600xf32, #tpu.memory_space<hbm>>) target(%dma_start3A_93 : memref<25600xf32, #tpu.memory_space<vmem>>) target_semaphore(%run_scoped3A_87 : memref<!tpu.dma_semaphore, #tpu.memory_space<semaphore_mem>>)
      %dma_wait3A_94 = arith.constant 0 : i32
      %dma_wait3A_95 = tpu.memref_slice %arg5[%run_scoped3A_1, %dma_wait3A_94] : memref<4x25600xf32, #tpu.memory_space<vmem>> -> memref<1x25600xf32, #tpu.memory_space<vmem>>
      %dma_wait3A_96 = tpu.memref_squeeze %dma_wait3A_95 : memref<1x25600xf32, #tpu.memory_space<vmem>> -> memref<25600xf32, #tpu.memory_space<vmem>>
      %dma_wait3A_97 = arith.constant 0 : i32
      %dma_wait3A_98 = tpu.memref_slice %arg5[%run_scoped3A_1, %dma_wait3A_97] : memref<4x25600xf32, #tpu.memory_space<vmem>> -> memref<1x25600xf32, #tpu.memory_space<vmem>>
      %dma_wait3A_99 = tpu.memref_squeeze %dma_wait3A_98 : memref<1x25600xf32, #tpu.memory_space<vmem>> -> memref<25600xf32, #tpu.memory_space<vmem>>
      tpu.wait_dma2 semaphore(%run_scoped3A_87 : memref<!tpu.dma_semaphore, #tpu.memory_space<semaphore_mem>>) src(%arg3 : memref<25600xf32, #tpu.memory_space<hbm>>) dst(%dma_wait3A_99 : memref<25600xf32, #tpu.memory_space<vmem>>)
      tpu.yield
    }) : () -> ()
    %scan3A = arith.constant 0 : i32
    %scan3A_2 = arith.constant 0 : i32
    %scan3A_3 = arith.constant 1600 : i32
    %scan3A_4 = arith.addi %scan3A_2, %scan3A_3 : i32
    %scan3A_5 = arith.constant 1 : i32
    scf.for %scan3A_87 = %scan3A_2 to %scan3A_4 step %scan3A_5  : i32 {
      %mul3A_88 = arith.constant 16 : i32
      %mul3A_89 = arith.muli %scan3A_87, %mul3A_88 : i32
      %get3A = arith.constant 0 : i32
      %get3A_90 = arith.index_cast %get3A : i32 to index
      %get3A_91 = arith.index_cast %mul3A_89 : i32 to index
      %get3A_92 = tpu.vector_load %arg5[%get3A_90, %get3A_91] {strides = array<i32>} : memref<4x25600xf32, #tpu.memory_space<vmem>>, vector<1x16xf32>,
      %get3A_93 = vector.shape_cast %get3A_92 : vector<1x16xf32> to vector<16xf32>
      %get3A_94 = arith.constant 1 : i32
      %get3A_95 = arith.index_cast %get3A_94 : i32 to index
      %get3A_96 = arith.index_cast %mul3A_89 : i32 to index
      %get3A_97 = tpu.vector_load %arg5[%get3A_95, %get3A_96] {strides = array<i32>} : memref<4x25600xf32, #tpu.memory_space<vmem>>, vector<1x16xf32>,
      %get3A_98 = vector.shape_cast %get3A_97 : vector<1x16xf32> to vector<16xf32>
      %add3A_99 = arith.addf %get3A_93, %get3A_98 : vector<16xf32>
      %swap3A = arith.constant 0 : i32
      %swap3A_100 = arith.index_cast %swap3A : i32 to index
      %swap3A_101 = arith.index_cast %mul3A_89 : i32 to index
      %swap3A_102 = tpu.vector_load %arg5[%swap3A_100, %swap3A_101] {strides = array<i32>} : memref<4x25600xf32, #tpu.memory_space<vmem>>, vector<1x16xf32>,
      %swap3A_103 = vector.shape_cast %swap3A_102 : vector<1x16xf32> to vector<16xf32>
      %swap3A_104 = vector.shape_cast %add3A_99 : vector<16xf32> to vector<1x16xf32>
      tpu.vector_store %arg5[%swap3A_100, %swap3A_101], %swap3A_104 {strides = array<i32>} : memref<4x25600xf32, #tpu.memory_space<vmem>>, vector<1x16xf32>,
      %swap3A_105 = arith.constant 1 : i32
      %swap3A_106 = arith.index_cast %swap3A_105 : i32 to index
      %swap3A_107 = arith.index_cast %mul3A_89 : i32 to index
      %swap3A_108 = tpu.vector_load %arg5[%swap3A_106, %swap3A_107] {strides = array<i32>} : memref<4x25600xf32, #tpu.memory_space<vmem>>, vector<1x16xf32>,
      %swap3A_109 = vector.shape_cast %swap3A_108 : vector<1x16xf32> to vector<16xf32>
      %swap3A_110 = vector.shape_cast %add3A_99 : vector<16xf32> to vector<1x16xf32>
      tpu.vector_store %arg5[%swap3A_106, %swap3A_107], %swap3A_110 {strides = array<i32>} : memref<4x25600xf32, #tpu.memory_space<vmem>>, vector<1x16xf32>,
      %swap3A_111 = arith.constant 2 : i32
      %swap3A_112 = arith.index_cast %swap3A_111 : i32 to index
      %swap3A_113 = arith.index_cast %mul3A_89 : i32 to index
      %swap3A_114 = tpu.vector_load %arg5[%swap3A_112, %swap3A_113] {strides = array<i32>} : memref<4x25600xf32, #tpu.memory_space<vmem>>, vector<1x16xf32>,
      %swap3A_115 = vector.shape_cast %swap3A_114 : vector<1x16xf32> to vector<16xf32>
      %swap3A_116 = vector.shape_cast %add3A_99 : vector<16xf32> to vector<1x16xf32>
      tpu.vector_store %arg5[%swap3A_112, %swap3A_113], %swap3A_116 {strides = array<i32>} : memref<4x25600xf32, #tpu.memory_space<vmem>>, vector<1x16xf32>,
      %swap3A_117 = arith.constant 3 : i32
      %swap3A_118 = arith.index_cast %swap3A_117 : i32 to index
      %swap3A_119 = arith.index_cast %mul3A_89 : i32 to index
      %swap3A_120 = tpu.vector_load %arg5[%swap3A_118, %swap3A_119] {strides = array<i32>} : memref<4x25600xf32, #tpu.memory_space<vmem>>, vector<1x16xf32>,
      %swap3A_121 = vector.shape_cast %swap3A_120 : vector<1x16xf32> to vector<16xf32>
      %swap3A_122 = vector.shape_cast %add3A_99 : vector<16xf32> to vector<1x16xf32>
      tpu.vector_store %arg5[%swap3A_118, %swap3A_119], %swap3A_122 {strides = array<i32>} : memref<4x25600xf32, #tpu.memory_space<vmem>>, vector<1x16xf32>,
    }
    %scan3A_6 = arith.constant 1600 : i32
    %mul3A_7 = arith.constant 32 : i32
    %mul3A_8 = arith.muli %add3A, %mul3A_7 : i32
    %add3A_9 = arith.constant 0 : i32
    %add3A_10 = arith.addi %mul3A_8, %add3A_9 : i32
    %add3A_11 = arith.constant 4 : i32
    %add3A_12 = arith.addi %mul3A_8, %add3A_11 : i32
    %add3A_13 = arith.constant 8 : i32
    %add3A_14 = arith.addi %mul3A_8, %add3A_13 : i32
    %add3A_15 = arith.constant 12 : i32
    %add3A_16 = arith.addi %mul3A_8, %add3A_15 : i32
    %add3A_17 = arith.constant 16 : i32
    %add3A_18 = arith.addi %mul3A_8, %add3A_17 : i32
    %add3A_19 = arith.constant 20 : i32
    %add3A_20 = arith.addi %mul3A_8, %add3A_19 : i32
    %add3A_21 = arith.constant 24 : i32
    %add3A_22 = arith.addi %mul3A_8, %add3A_21 : i32
    %add3A_23 = arith.constant 28 : i32
    %add3A_24 = arith.addi %mul3A_8, %add3A_23 : i32
    %dma_start3A = arith.constant 0 : i32
    %dma_start3A_25 = tpu.memref_slice %arg4[%add3A_10, %dma_start3A] : memref<1024x25600xf32, #tpu.memory_space<hbm>> -> memref<4x25600xf32, #tpu.memory_space<hbm>>
    %dma_start3A_26 = arith.constant 0 : i32
    %dma_start3A_27 = tpu.memref_slice %arg4[%add3A_10, %dma_start3A_26] : memref<1024x25600xf32, #tpu.memory_space<hbm>> -> memref<4x25600xf32, #tpu.memory_space<hbm>>
    tpu.enqueue_dma source(%arg5 : memref<4x25600xf32, #tpu.memory_space<vmem>>) target(%dma_start3A_27 : memref<4x25600xf32, #tpu.memory_space<hbm>>) target_semaphore(%arg6 : memref<!tpu.dma_semaphore, #tpu.memory_space<semaphore_mem>>)
    %dma_start3A_28 = arith.constant 0 : i32
    %dma_start3A_29 = tpu.memref_slice %arg4[%add3A_12, %dma_start3A_28] : memref<1024x25600xf32, #tpu.memory_space<hbm>> -> memref<4x25600xf32, #tpu.memory_space<hbm>>
    %dma_start3A_30 = arith.constant 0 : i32
    %dma_start3A_31 = tpu.memref_slice %arg4[%add3A_12, %dma_start3A_30] : memref<1024x25600xf32, #tpu.memory_space<hbm>> -> memref<4x25600xf32, #tpu.memory_space<hbm>>
    tpu.enqueue_dma source(%arg5 : memref<4x25600xf32, #tpu.memory_space<vmem>>) target(%dma_start3A_31 : memref<4x25600xf32, #tpu.memory_space<hbm>>) target_semaphore(%arg6 : memref<!tpu.dma_semaphore, #tpu.memory_space<semaphore_mem>>)
    %dma_start3A_32 = arith.constant 0 : i32
    %dma_start3A_33 = tpu.memref_slice %arg4[%add3A_14, %dma_start3A_32] : memref<1024x25600xf32, #tpu.memory_space<hbm>> -> memref<4x25600xf32, #tpu.memory_space<hbm>>
    %dma_start3A_34 = arith.constant 0 : i32
    %dma_start3A_35 = tpu.memref_slice %arg4[%add3A_14, %dma_start3A_34] : memref<1024x25600xf32, #tpu.memory_space<hbm>> -> memref<4x25600xf32, #tpu.memory_space<hbm>>
    tpu.enqueue_dma source(%arg5 : memref<4x25600xf32, #tpu.memory_space<vmem>>) target(%dma_start3A_35 : memref<4x25600xf32, #tpu.memory_space<hbm>>) target_semaphore(%arg6 : memref<!tpu.dma_semaphore, #tpu.memory_space<semaphore_mem>>)
    %dma_start3A_36 = arith.constant 0 : i32
    %dma_start3A_37 = tpu.memref_slice %arg4[%add3A_16, %dma_start3A_36] : memref<1024x25600xf32, #tpu.memory_space<hbm>> -> memref<4x25600xf32, #tpu.memory_space<hbm>>
    %dma_start3A_38 = arith.constant 0 : i32
    %dma_start3A_39 = tpu.memref_slice %arg4[%add3A_16, %dma_start3A_38] : memref<1024x25600xf32, #tpu.memory_space<hbm>> -> memref<4x25600xf32, #tpu.memory_space<hbm>>
    tpu.enqueue_dma source(%arg5 : memref<4x25600xf32, #tpu.memory_space<vmem>>) target(%dma_start3A_39 : memref<4x25600xf32, #tpu.memory_space<hbm>>) target_semaphore(%arg6 : memref<!tpu.dma_semaphore, #tpu.memory_space<semaphore_mem>>)
    %dma_start3A_40 = arith.constant 0 : i32
    %dma_start3A_41 = tpu.memref_slice %arg4[%add3A_18, %dma_start3A_40] : memref<1024x25600xf32, #tpu.memory_space<hbm>> -> memref<4x25600xf32, #tpu.memory_space<hbm>>
    %dma_start3A_42 = arith.constant 0 : i32
    %dma_start3A_43 = tpu.memref_slice %arg4[%add3A_18, %dma_start3A_42] : memref<1024x25600xf32, #tpu.memory_space<hbm>> -> memref<4x25600xf32, #tpu.memory_space<hbm>>
    tpu.enqueue_dma source(%arg5 : memref<4x25600xf32, #tpu.memory_space<vmem>>) target(%dma_start3A_43 : memref<4x25600xf32, #tpu.memory_space<hbm>>) target_semaphore(%arg6 : memref<!tpu.dma_semaphore, #tpu.memory_space<semaphore_mem>>)
    %dma_start3A_44 = arith.constant 0 : i32
    %dma_start3A_45 = tpu.memref_slice %arg4[%add3A_20, %dma_start3A_44] : memref<1024x25600xf32, #tpu.memory_space<hbm>> -> memref<4x25600xf32, #tpu.memory_space<hbm>>
    %dma_start3A_46 = arith.constant 0 : i32
    %dma_start3A_47 = tpu.memref_slice %arg4[%add3A_20, %dma_start3A_46] : memref<1024x25600xf32, #tpu.memory_space<hbm>> -> memref<4x25600xf32, #tpu.memory_space<hbm>>
    tpu.enqueue_dma source(%arg5 : memref<4x25600xf32, #tpu.memory_space<vmem>>) target(%dma_start3A_47 : memref<4x25600xf32, #tpu.memory_space<hbm>>) target_semaphore(%arg6 : memref<!tpu.dma_semaphore, #tpu.memory_space<semaphore_mem>>)
    %dma_start3A_48 = arith.constant 0 : i32
    %dma_start3A_49 = tpu.memref_slice %arg4[%add3A_22, %dma_start3A_48] : memref<1024x25600xf32, #tpu.memory_space<hbm>> -> memref<4x25600xf32, #tpu.memory_space<hbm>>
    %dma_start3A_50 = arith.constant 0 : i32
    %dma_start3A_51 = tpu.memref_slice %arg4[%add3A_22, %dma_start3A_50] : memref<1024x25600xf32, #tpu.memory_space<hbm>> -> memref<4x25600xf32, #tpu.memory_space<hbm>>
    tpu.enqueue_dma source(%arg5 : memref<4x25600xf32, #tpu.memory_space<vmem>>) target(%dma_start3A_51 : memref<4x25600xf32, #tpu.memory_space<hbm>>) target_semaphore(%arg6 : memref<!tpu.dma_semaphore, #tpu.memory_space<semaphore_mem>>)
    %dma_start3A_52 = arith.constant 0 : i32
    %dma_start3A_53 = tpu.memref_slice %arg4[%add3A_24, %dma_start3A_52] : memref<1024x25600xf32, #tpu.memory_space<hbm>> -> memref<4x25600xf32, #tpu.memory_space<hbm>>
    %dma_start3A_54 = arith.constant 0 : i32
    %dma_start3A_55 = tpu.memref_slice %arg4[%add3A_24, %dma_start3A_54] : memref<1024x25600xf32, #tpu.memory_space<hbm>> -> memref<4x25600xf32, #tpu.memory_space<hbm>>
    tpu.enqueue_dma source(%arg5 : memref<4x25600xf32, #tpu.memory_space<vmem>>) target(%dma_start3A_55 : memref<4x25600xf32, #tpu.memory_space<hbm>>) target_semaphore(%arg6 : memref<!tpu.dma_semaphore, #tpu.memory_space<semaphore_mem>>)
    %dma_wait3A = arith.constant 0 : i32
    %dma_wait3A_56 = tpu.memref_slice %arg4[%add3A_10, %dma_wait3A] : memref<1024x25600xf32, #tpu.memory_space<hbm>> -> memref<4x25600xf32, #tpu.memory_space<hbm>>
    %dma_wait3A_57 = arith.constant 0 : i32
    %dma_wait3A_58 = tpu.memref_slice %arg4[%add3A_10, %dma_wait3A_57] : memref<1024x25600xf32, #tpu.memory_space<hbm>> -> memref<4x25600xf32, #tpu.memory_space<hbm>>
    tpu.wait_dma2 semaphore(%arg6 : memref<!tpu.dma_semaphore, #tpu.memory_space<semaphore_mem>>) src(%arg5 : memref<4x25600xf32, #tpu.memory_space<vmem>>) dst(%dma_wait3A_58 : memref<4x25600xf32, #tpu.memory_space<hbm>>)
    %dma_wait3A_59 = arith.constant 0 : i32
    %dma_wait3A_60 = tpu.memref_slice %arg4[%add3A_12, %dma_wait3A_59] : memref<1024x25600xf32, #tpu.memory_space<hbm>> -> memref<4x25600xf32, #tpu.memory_space<hbm>>
    %dma_wait3A_61 = arith.constant 0 : i32
    %dma_wait3A_62 = tpu.memref_slice %arg4[%add3A_12, %dma_wait3A_61] : memref<1024x25600xf32, #tpu.memory_space<hbm>> -> memref<4x25600xf32, #tpu.memory_space<hbm>>
    tpu.wait_dma2 semaphore(%arg6 : memref<!tpu.dma_semaphore, #tpu.memory_space<semaphore_mem>>) src(%arg5 : memref<4x25600xf32, #tpu.memory_space<vmem>>) dst(%dma_wait3A_62 : memref<4x25600xf32, #tpu.memory_space<hbm>>)
    %dma_wait3A_63 = arith.constant 0 : i32
    %dma_wait3A_64 = tpu.memref_slice %arg4[%add3A_14, %dma_wait3A_63] : memref<1024x25600xf32, #tpu.memory_space<hbm>> -> memref<4x25600xf32, #tpu.memory_space<hbm>>
    %dma_wait3A_65 = arith.constant 0 : i32
    %dma_wait3A_66 = tpu.memref_slice %arg4[%add3A_14, %dma_wait3A_65] : memref<1024x25600xf32, #tpu.memory_space<hbm>> -> memref<4x25600xf32, #tpu.memory_space<hbm>>
    tpu.wait_dma2 semaphore(%arg6 : memref<!tpu.dma_semaphore, #tpu.memory_space<semaphore_mem>>) src(%arg5 : memref<4x25600xf32, #tpu.memory_space<vmem>>) dst(%dma_wait3A_66 : memref<4x25600xf32, #tpu.memory_space<hbm>>)
    %dma_wait3A_67 = arith.constant 0 : i32
    %dma_wait3A_68 = tpu.memref_slice %arg4[%add3A_16, %dma_wait3A_67] : memref<1024x25600xf32, #tpu.memory_space<hbm>> -> memref<4x25600xf32, #tpu.memory_space<hbm>>
    %dma_wait3A_69 = arith.constant 0 : i32
    %dma_wait3A_70 = tpu.memref_slice %arg4[%add3A_16, %dma_wait3A_69] : memref<1024x25600xf32, #tpu.memory_space<hbm>> -> memref<4x25600xf32, #tpu.memory_space<hbm>>
    tpu.wait_dma2 semaphore(%arg6 : memref<!tpu.dma_semaphore, #tpu.memory_space<semaphore_mem>>) src(%arg5 : memref<4x25600xf32, #tpu.memory_space<vmem>>) dst(%dma_wait3A_70 : memref<4x25600xf32, #tpu.memory_space<hbm>>)
    %dma_wait3A_71 = arith.constant 0 : i32
    %dma_wait3A_72 = tpu.memref_slice %arg4[%add3A_18, %dma_wait3A_71] : memref<1024x25600xf32, #tpu.memory_space<hbm>> -> memref<4x25600xf32, #tpu.memory_space<hbm>>
    %dma_wait3A_73 = arith.constant 0 : i32
    %dma_wait3A_74 = tpu.memref_slice %arg4[%add3A_18, %dma_wait3A_73] : memref<1024x25600xf32, #tpu.memory_space<hbm>> -> memref<4x25600xf32, #tpu.memory_space<hbm>>
    tpu.wait_dma2 semaphore(%arg6 : memref<!tpu.dma_semaphore, #tpu.memory_space<semaphore_mem>>) src(%arg5 : memref<4x25600xf32, #tpu.memory_space<vmem>>) dst(%dma_wait3A_74 : memref<4x25600xf32, #tpu.memory_space<hbm>>)
    %dma_wait3A_75 = arith.constant 0 : i32
    %dma_wait3A_76 = tpu.memref_slice %arg4[%add3A_20, %dma_wait3A_75] : memref<1024x25600xf32, #tpu.memory_space<hbm>> -> memref<4x25600xf32, #tpu.memory_space<hbm>>
    %dma_wait3A_77 = arith.constant 0 : i32
    %dma_wait3A_78 = tpu.memref_slice %arg4[%add3A_20, %dma_wait3A_77] : memref<1024x25600xf32, #tpu.memory_space<hbm>> -> memref<4x25600xf32, #tpu.memory_space<hbm>>
    tpu.wait_dma2 semaphore(%arg6 : memref<!tpu.dma_semaphore, #tpu.memory_space<semaphore_mem>>) src(%arg5 : memref<4x25600xf32, #tpu.memory_space<vmem>>) dst(%dma_wait3A_78 : memref<4x25600xf32, #tpu.memory_space<hbm>>)
    %dma_wait3A_79 = arith.constant 0 : i32
    %dma_wait3A_80 = tpu.memref_slice %arg4[%add3A_22, %dma_wait3A_79] : memref<1024x25600xf32, #tpu.memory_space<hbm>> -> memref<4x25600xf32, #tpu.memory_space<hbm>>
    %dma_wait3A_81 = arith.constant 0 : i32
    %dma_wait3A_82 = tpu.memref_slice %arg4[%add3A_22, %dma_wait3A_81] : memref<1024x25600xf32, #tpu.memory_space<hbm>> -> memref<4x25600xf32, #tpu.memory_space<hbm>>
    tpu.wait_dma2 semaphore(%arg6 : memref<!tpu.dma_semaphore, #tpu.memory_space<semaphore_mem>>) src(%arg5 : memref<4x25600xf32, #tpu.memory_space<vmem>>) dst(%dma_wait3A_82 : memref<4x25600xf32, #tpu.memory_space<hbm>>)
    %dma_wait3A_83 = arith.constant 0 : i32
    %dma_wait3A_84 = tpu.memref_slice %arg4[%add3A_24, %dma_wait3A_83] : memref<1024x25600xf32, #tpu.memory_space<hbm>> -> memref<4x25600xf32, #tpu.memory_space<hbm>>
    %dma_wait3A_85 = arith.constant 0 : i32
    %dma_wait3A_86 = tpu.memref_slice %arg4[%add3A_24, %dma_wait3A_85] : memref<1024x25600xf32, #tpu.memory_space<hbm>> -> memref<4x25600xf32, #tpu.memory_space<hbm>>
    tpu.wait_dma2 semaphore(%arg6 : memref<!tpu.dma_semaphore, #tpu.memory_space<semaphore_mem>>) src(%arg5 : memref<4x25600xf32, #tpu.memory_space<vmem>>) dst(%dma_wait3A_86 : memref<4x25600xf32, #tpu.memory_space<hbm>>)
    return
  }
}

</mosaic_0001>

<sc_bundles>
// kernel: kernel.3.cloned.1.call-start
scs
__scs_entry_jumppad:
0x0: {  	(pc) =	sbr.rel $0x88, $3  }
0x1: {  	(tag) =	ssettag $0x0;
	lr =	simm.s32 $0x1  }
0x2: {  	[smem:$0x3F9F] =	sst lr;
	_ =	strace $0xD0000000  }
0x3: {  	_ = 	snop  }
0x4: {  	_ = 	snop  }
0x5: {  	_ = 	snop  }
0x6: {  	_ = 	snop  }
0x7: {  	_ = 	snop  }
__scs_overlays_trampoline_lowered:
0x8: {  	[smem:$0x3FAE] =	sst s0  }
0x9: {  	[smem:$0x3FAF] =	sst s1  }
0xa: {  	[smem:$0x3FB0] =	sst s2  }
0xb: {  	[smem:$0x3FB1] =	sst s3  }
0xc: {  	[smem:$0x3FB2] =	sst s4  }
0xd: {  	[smem:$0x3FB3] =	sst s5  }
0xe: {  	[smem:$0x3FB4] =	sst s6  }
0xf: {  	[smem:$0x3FB5] =	sst s7  }
0x10: {  	[smem:$0x3FB6] =	sst s8  }
0x11: {  	[smem:$0x3FB7] =	sst s9;
	s0 =	simm.s32 @!p0 $0x0  }
0x12: {  	s1 =	sld [smem:$0x3F9D];
	s0 =	simm.s32 @p0 $0x1  }
0x13: {  	[smem:$0x3FB8] =	sst s0;
	s0 =	simm.s32 @!p1 $0x0  }
0x14: {  	s2 =	sld [smem:$0x3F9C];
	s0 =	simm.s32 @p1 $0x1  }
0x15: {  	[smem:$0x3FB9] =	sst s0;
	s0 =	simm.s32 @!p2 $0x0  }
0x16: {  	s3 =	sld [smem:$0x3FDB];
	s0 =	simm.s32 @p2 $0x1  }
0x17: {  	s4 =	simm.s32 $0x1BF5;
	[smem:$0x3FBB] =	sst s0  }
0x18: {  	s0 =	sld [smem:$0x3F9E];
	_ =	swait.ge [sflag:s4], $0x0  }
0x19: {  	s7 =	sld [smem:$0x3F9F]  }
0x1a: {  	s8 =	sadd.s32 $0xFFFFE003, lr  }
0x1b: {  	s9 =	sadd.s32 $0xFFFFFEF7, lr;
	s5 =	simm.s32 $0xFFFFFFFF;
	p2 =	slt.u32 s8, $0xFFFFF086  }
0x1c: {  	p1 =	slt.u32 s9, $0xF7A;
	s5 =	simm.s32 @!p2 $0x0  }
0x1d: {  	s5 =	simm.s32 @p1 $0x1;
	p0 =	seq.s32 s7, s2  }
0x1e: {  	s7 =	smul.u32 @!p0 $0xF7A, s2;
	p2 =	seq.s32 @!p0 s5, $0x0  }
0x1f: {  	s9 =	smul.u32 $0xF7A, s1;
	s8 =	simm.s32 @!p0 $0x1BF5;
	p2 =	por !p2, p0  }
0x20: {  	[sflag:s8] =	ssyncset.s32 @!p0 $0xFFFFF086;
	s6 =	sadd.s32 @!p0 s3, s7;
	s7 =	simm.s32 @!p0 $0x108  }
0x21: {  	s3 =	sadd.s32 s3, s9;
	s6 =	sadd.s32 @!p0 $0x88, s6;
	s7 =	simm.s32 @p2 $0x1082  }
0x22: {  	[simem:s7], [sflag:s8] =	dma.local @!p0 [hbm:s6], $0xF7A  }
0x23: {  	s9 =	sor.u32 $0xD0000000, s2;
	s6 =	simm.s32 $0x108;
	_ =	swait.ge @!p0 [sflag:s8], $0x0  }
0x24: {  	s3 =	sadd.s32 $0x88, s3;
	s6 =	simm.s32 @!p1 $0x1082;
	[sflag:s4] =	ssyncset.s32 $0xFFFFF086  }
0x25: {  	[simem:s6], [sflag:s4] =	dma.local [hbm:s3], $0xF7A  }
0x26: {  	[smem:$0x3F9F] =	sst s1;
	(tag) =	ssettag s2;
	_ =	strace s9  }
0x27: {  	s1 =	sld [smem:$0x3FAF]  }
0x28: {  	s2 =	sld [smem:$0x3FB0]  }
0x29: {  	s4 =	sld [smem:$0x3FB2]  }
0x2a: {  	p0 =	seq.s32 s5, $0x0;
	s5 =	sld [smem:$0x3FB3]  }
0x2b: {  	s6 =	sld [smem:$0x3FB4]  }
0x2c: {  	s7 =	sld [smem:$0x3FB5]  }
0x2d: {  	s3 =	simm.s32 $0x108;
	s8 =	sld [smem:$0x3FB6]  }
0x2e: {  	s3 =	simm.s32 @!p0 $0x1082;
	s9 =	sld [smem:$0x3FB7]  }
0x2f: {  	lr =	sadd.s32 s0, s3;
	s0 =	sld [smem:$0x3FAE]  }
0x30: {  	s3 =	sld [smem:$0x3FB1]  }
0x31: {  	[smem:$0x3FBA] =	sst s10  }
0x32: {  	s10 =	sld [smem:$0x3FB8];
	_ =	sdelay $0x3  }
0x33: {  	p0 =	seq.s32 s10, $0x1;
	s10 =	sld [smem:$0x3FBA];
	_ =	sdelay $0x3  }
0x34: {  	[smem:$0x3FBA] =	sst s10  }
0x35: {  	s10 =	sld [smem:$0x3FB9];
	_ =	sdelay $0x3  }
0x36: {  	p1 =	seq.s32 s10, $0x1;
	s10 =	sld [smem:$0x3FBA];
	_ =	sdelay $0x3  }
0x37: {  	[smem:$0x3FBA] =	sst s10  }
0x38: {  	s10 =	sld [smem:$0x3FBB]  }
0x39: {  	_ = 	snop;
	(pc) =	sbr.ind lr, $3  }
0x3a: {  	_ = 	snop  }
0x3b: {  	_ = 	snop  }
0x3c: {  	p2 =	seq.s32 s10, $0x1;
	s10 =	sld [smem:$0x3FBA]  }
0x3d: {  	_ =	shalt  }
0x3e: {  	_ =	shalt  }
0x3f: {  	_ =	shalt  }
0x40: {  	_ =	shalt  }
0x41: {  	_ =	shalt  }
0x42: {  	_ =	shalt  }
0x43: {  	_ =	shalt  }
0x44: {  	_ =	shalt  }
0x45: {  	_ =	shalt  }
0x46: {  	_ =	shalt  }
0x47: {  	_ =	shalt  }
0x48: {  	_ =	shalt  }
0x49: {  	_ =	shalt  }
0x4a: {  	_ =	shalt  }
0x4b: {  	_ =	shalt  }
0x4c: {  	_ =	shalt  }
0x4d: {  	_ =	shalt  }
0x4e: {  	_ =	shalt  }
0x4f: {  	_ =	shalt  }
0x50: {  	_ =	shalt  }
0x51: {  	_ =	shalt  }
0x52: {  	_ =	shalt  }
0x53: {  	_ =	shalt  }
0x54: {  	_ =	shalt  }
0x55: {  	_ =	shalt  }
0x56: {  	_ =	shalt  }
0x57: {  	_ =	shalt  }
0x58: {  	_ =	shalt  }
0x59: {  	_ =	shalt  }
0x5a: {  	_ =	shalt  }
0x5b: {  	_ =	shalt  }
0x5c: {  	_ =	shalt  }
0x5d: {  	_ =	shalt  }
0x5e: {  	_ =	shalt  }
0x5f: {  	_ =	shalt  }
0x60: {  	_ =	shalt  }
0x61: {  	_ =	shalt  }
0x62: {  	_ =	shalt  }
0x63: {  	_ =	shalt  }
0x64: {  	_ =	shalt  }
0x65: {  	_ =	shalt  }
0x66: {  	_ =	shalt  }
0x67: {  	_ =	shalt  }
0x68: {  	_ =	shalt  }
0x69: {  	_ =	shalt  }
0x6a: {  	_ =	shalt  }
0x6b: {  	_ =	shalt  }
0x6c: {  	_ =	shalt  }
0x6d: {  	_ =	shalt  }
0x6e: {  	_ =	shalt  }
0x6f: {  	_ =	shalt  }
0x70: {  	_ =	shalt  }
0x71: {  	_ =	shalt  }
0x72: {  	_ =	shalt  }
0x73: {  	_ =	shalt  }
0x74: {  	_ =	shalt  }
0x75: {  	_ =	shalt  }
0x76: {  	_ =	shalt  }
0x77: {  	_ =	shalt  }
0x78: {  	_ =	shalt  }
0x79: {  	_ =	shalt  }
0x7a: {  	_ =	shalt  }
0x7b: {  	_ =	shalt  }
0x7c: {  	_ =	shalt  }
0x7d: {  	_ =	shalt  }
0x7e: {  	_ =	shalt  }
0x7f: {  	_ =	shalt  }
0x80: {  	_ =	shalt  }
0x81: {  	_ =	shalt  }
0x82: {  	_ =	shalt  }
0x83: {  	_ =	shalt  }
0x84: {  	_ =	shalt  }
0x85: {  	_ =	shalt  }
0x86: {  	_ =	shalt  }
0x87: {  	_ =	shalt  }
.Lfunc_end0:
.L_simem_size_0:
called_computation.1_lowered:
.L_overlay_start_0:
0x88: {  	s2 =	sld [smem:$0x3FD9]  }
0x89: {  	s3 =	sld [smem:$0x3FFE];
	_ =	sdelay $0x1  }
0x8a: {  	s1 =	srdreg.scid  }
0x8b: {  	s0 =	sand.u32 $0x1, s1  }
0x8c: {  	s17 =	sshll.u32 s0, $0xA;
	s2 =	sadd.s32 s3, s2  }
0x8d: {  	s2 =	sadd.s32 s2, s17  }
0x8e: {  	[smem:$0x3FC6] =	sst s2  }
0x8f: {  	_ = 	snop  }
0x90: {  	s2 =	sld [smem:$0x3FC8]  }
0x91: {  	s18 =	sld [smem:$0x3FD0];
	(tm) =	ssettm $0x1  }
0x92: {  	s4 =	sld [smem:$0x3FFB];
	_ =	sdelay $0x3  }
0x93: {  	_ =	strace s4  }
0x94: {  	s4 =	sld [smem:$0x3FFC];
	_ =	sdelay $0x3  }
0x95: {  	_ =	strace s4  }
0x96: {  	s4 =	sld [smem:$0x3FFD];
	_ =	sdelay $0x3  }
0x97: {  	_ =	strace s4  }
0x98: {  	_ =	strace $0x8FFFFFFF  }
0x99: {  	s19 =	sld [smem:$0x3FDB];
	_ =	sdelay $0x1  }
0x9a: {  	s5 =	simm.s32 $_scs_section_size  }
0x9b: {  	s6 =	simm.s32 $_size__tile_overlayer_lowered;
	s7 =	simm.s32 $_tile_overlayer_lowered  }
0x9c: {  	s22 =	simm.s32 $0x1BFF;
	s21 =	sshll.u32 s7, $0x1;
	s4 =	sadd.s32 s5, s19  }
0x9d: {  	s8 =	simm.s32 $0x0;
	s20 =	sshll.u32 s6, $0x1;
	s6 =	sadd.s32 s21, s4  }
0x9e: {  	[timem:s8], [sflag:s22] =	dma.local [hbm:s6], s20  }
0x9f: {  	_ =	swait.ge [sflag:s22], s20  }
0xa0: {  	s5 =	ssub.s32 $0x0, s20;
	[sflag:s22] =	ssyncset.done $0x0  }
0xa1: {  	[sflag:s22] =	ssyncadd.s32 s5;
	_ =	sdelay $0x1  }
0xa2: {  	s23 =	simm.s32 $0x1B8B  }
0xa3: {  	_ =	swait.ge [sflag:s23], $0x1  }
0xa4: {  	[sflag:s23] =	ssyncset.done $0x0  }
0xa5: {  	s25 =	simm.s32 $0x1B8E;
	s24 =	sld [smem:$0x3FFE];
	[sflag:s23] =	ssyncadd.s32 $0xFFFFFFFF  }
0xa6: {  	s26 =	simm.s32 $execute0_lowered;
	[smem:$0x3FD2] =	sst s25  }
0xa7: {  	s6 =	sshll.u32 s26, $0x1;
	_ =	strace $0x80000046;
	[dreg:$0x1] =	wrdreg $0xFFFFFFFF  }
0xa8: {  	s28 =	simm.s32 $_size_execute0_lowered;
	s4 =	sadd.s32 s4, s6;
	[dreg:$0x0] =	wrdreg $0x0  }
0xa9: {  	s6 =	sshll.u32 s28, $0x1;
	[dreg:$0x2] =	wrdreg s4  }
0xaa: {  	[dreg:$0x3] =	wrdreg s6  }
0xab: {  	[dreg:$0x4] =	wrdreg $0xC0  }
0xac: {  	_ =	task [dreg:s8], $0x5FFFF  }
0xad: {  	[dreg:$0x1] =	wrdreg $0xFFFFFFFF  }
0xae: {  	[dreg:$0x0] =	wrdreg $0x60  }
0xaf: {  	[dreg:$0x2] =	wrdreg s24  }
0xb0: {  	[dreg:$0x3] =	wrdreg s2  }
0xb1: {  	[dreg:$0x4] =	wrdreg s18  }
0xb2: {  	[dreg:$0x5] =	wrdreg $0x9  }
0xb3: {  	_ =	task.clear_ibuf [dreg:s8], $0x6FFFF;
	_ =	strace $0x90000046  }
0xb4: {  	s29 =	simm.s32 $0x9;
	_ =	strace $0x80000048  }
0xb5: {  	_ =	swait.ge [sflag:s29], $0x1  }
0xb6: {  	[sflag:s29] =	ssyncadd.s32 $0xFFFFFFFF  }
0xb7: {  	_ =	strace $0x90000048  }
0xb8: {  	_ =	sfence  }
0xb9: {  	s30 =	sld [smem:$0x0];
	_ =	sdelay $0x2  }
0xba: {  	s31 =	sshll.u32 s1, $0xD;
	s1 =	sshrl.u32 s1, $0x2  }
0xbb: {  	s3 =	sand.u32 $0x4000, s31;
	s1 =	sadd.s32 s1, s30  }
0xbc: {  	s0 =	sor.u32 s3, s0;
	s1 =	sshll.u32 s1, $0x11  }
0xbd: {  	s0 =	sor.u32 s1, s0  }
0xbe: {  	s0 =	sadd.s32 $0x8F2B, s0  }
0xbf: {  	[sflag:s0] =	ssyncadd.remote.s32 $0x1  }
0xc0: {  	_ =	sfence.sel $0xFFFF  }
0xc1: {  	[dreg:$0x0] =	wrdreg $0xFFFFFFFF;
	(pc) =	sbr.abs _section_cstart, $3  }
0xc2: {  	[dreg:$0x1] =	wrdreg $0xFFFFFFFF  }
0xc3: {  	_ =	task.clear_ibuf [dreg:s8], $0x2FFFF;
	_ =	strace $0x9FFFFFFF  }
0xc4: {  	(tm) =	ssettm $0x7FFFFFFF  }
0xc5: {  	_ =	shalt  }
tec
execute0_lowered:
.L_overlay_start_1:
0x0: {  	(tag) =	ssettag $0x1  }
0x1: {  	s4 =	rddreg [dreg:$0x0]  }
0x2: {  	s1 =	srdreg.scid;
	s2 =	rddreg [dreg:$0x1]  }
0x3: {  	s0 =	stileid.u32;
	s7 =	rddreg [dreg:$0x2]  }
0x4: {  	s14 =	simm.s32 $0x2;
	s15 =	simm.s32 $0x200;
	s5 =	sand.u32 $0x1, s1  }
0x5: {  	s16 =	simm.s32 $0x400;
	s30 =	sshll.u32 s0, $0x3;
	s3 =	sshll.u32 s5, $0x2  }
0x6: {  	s17 =	simm.s32 $0x1;
	s18 =	simm.s32 $0x0;
	s6 =	sor.u32 s3, s30  }
0x7: {  	s1 =	rddreg [dreg:$0x3];
	s9 =	ssub.s32 $0x2, s5;
	s8 =	smul.u32 $0x6400, s6  }
0x8: {  	s3 =	simm.s32 $0x0;
	s10 =	sshrl.u32 s9, $0x1;
	s6 =	smul.u32 $0x32000, s6  }
0x9: {  	s4 =	sadd.s32 $0x800, s4;
	[smem:$0x7FF] =	sst s3;
	s13 =	ssub.s32 s9, s10  }
0xa: {  	_ =	strace $0x80000047;
	s5 =	sadd.s32 s7, s8;
	s31 =	sshrl.u32 s6, $0x3  }
0xb: {  	s13 =	smax.u32 s13, $0x1;
	s6 =	sadd.s32 $0x40, s5;
	s12 =	sadd.s32 s7, s31  }
0xc: {  	s7 =	sadd.s32 $0x6400, s12;
	s8 =	sadd.s32 $0x6440, s12;
	s9 =	sadd.s32 $0xC800, s12  }
0xd: {  	s10 =	sadd.s32 $0xC840, s12;
	s11 =	sadd.s32 $0x12C00, s12;
	s12 =	sadd.s32 $0x12C40, s12  }
.LBB2_1:
0xe: {  	s19 =	simm.s32 $0x10  }
0xf: {  	s22 =	sadd.s32 $0x0, s4;
	s20 =	simm.s32 $0x200;
	s21 =	simm.s32 $0x0  }
.LBB2_2:
0x10: {  	[tilespmem:s21], [sflag:$0x2] =	stream.linear.gather [hbm4b:s22+s3], $0x80, $0x38;
	[tilespmem:$0x19000] =	vst v63  }
0x11: {  	s22 =	smov.u32 s19;
	s21 =	smov.u32 s20;
	p0 =	sne.s32 s19, $0xC70  }
.Ltmp0:
0x12: {  	s19 =	sadd.s32 $0x10, s19;
	(pc) =	sbr.rel @p0 .LBB2_2-.Ltmp0, $2  }
0x13: {  	_ =	sdelay $0x2  }
0x14: {  	s20 =	sadd.s32 $0x200, s20;
	s22 =	sadd.s32 s22, s4  }
0x15: {  	[tilespmem:s21], [sflag:$0x2] =	stream.linear.gather [hbm4b:s22+s3], $0x80, $0x38;
	[tilespmem:$0x19000] =	vst v63  }
0x16: {  	_ =	swait.ge [sflag:s14], $0x6400  }
0x17: {  	s19 =	simm.s32 $0x80;
	s20 =	simm.s32 $0x10;
	[sflag:s14] =	ssyncset.done $0x0  }
0x18: {  	s22 =	sadd.s32 $0x0, s2;
	s21 =	simm.s32 $0x280;
	[sflag:s14] =	ssyncadd.s32 $0xFFFF9C00  }
.LBB2_4:
0x19: {  	[tilespmem:s19], [sflag:$0x2] =	stream.linear.gather [hbm4b:s22+s3], $0x80, $0x38;
	[tilespmem:$0x19000] =	vst v63  }
0x1a: {  	s22 =	smov.u32 s20;
	s19 =	smov.u32 s21;
	p0 =	sne.s32 s20, $0xC70  }
.Ltmp1:
0x1b: {  	s20 =	sadd.s32 $0x10, s20;
	(pc) =	sbr.rel @p0 .LBB2_4-.Ltmp1, $2  }
0x1c: {  	_ =	sdelay $0x2  }
0x1d: {  	s21 =	sadd.s32 $0x200, s21;
	s22 =	sadd.s32 s22, s2  }
0x1e: {  	[tilespmem:s19], [sflag:$0x2] =	stream.linear.gather [hbm4b:s22+s3], $0x80, $0x38;
	[tilespmem:$0x19000] =	vst v63  }
0x1f: {  	s30 =	simm.s32 $0x0;
	_ =	swait.ge [sflag:s14], $0x6400  }
0x20: {  	s20 =	sand.u32 $0x70, s30;
	s19 =	sand.u32 $0x1FE00, s30;
	[sflag:s14] =	ssyncset.done $0x0  }
0x21: {  	s19 =	sor.u32 s20, s19;
	[sflag:s14] =	ssyncadd.s32 $0xFFFF9C00  }
0x22: {  	v0 =	vld [tilespmem:s19+$0x80]  }
0x23: {  	v1 =	vld [tilespmem:s19+$0x0];
	_ =	sdelay $0x4  }
0x24: {  	v0 =	vadd.f32 v0, v1  }
0x25: {  	s21 =	simm.s32 $0x10;
	s20 =	simm.s32 $0x40  }
0x26: {  	s21 =	sand.u32 $0x70, s21;
	s31 =	sand.u32 $0x1FE00, s20;
	[tilespmem:s19+$0x0] =	vst v0  }
0x27: {  	s22 =	sor.u32 s21, s31;
	s21 =	simm.s32 $0x20;
	[tilespmem:s19+$0x80] =	vst v0  }
.LBB2_6:
0x28: {  	p0 =	sne.s32 s21, $0x63F0;
	v1 =	vld [tilespmem:s22+$0x80];
	[tilespmem:s19+$0x100] =	vst v0  }
0x29: {  	v2 =	vld [tilespmem:s22+$0x0];
	[tilespmem:s19+$0x180] =	vst v0;
	s19 =	smov.u32 s22;
	_ =	sdelay $0x3  }
.Ltmp2:
0x2a: {  	(pc) =	sbr.rel @p0 .LBB2_6-.Ltmp2, $4  }
0x2b: {  	v0 =	vadd.f32 v1, v2  }
0x2c: {  	s20 =	sadd.s32 $0x40, s20  }
0x2d: {  	s22 =	sand.u32 $0x70, s21;
	s23 =	sand.u32 $0x1FE00, s20;
	[tilespmem:s19+$0x0] =	vst v0  }
0x2e: {  	s21 =	sadd.s32 $0x10, s21;
	s22 =	sor.u32 s22, s23;
	[tilespmem:s19+$0x80] =	vst v0  }
0x2f: {  	v1 =	vld [tilespmem:s22+$0x80]  }
0x30: {  	v2 =	vld [tilespmem:s22+$0x0];
	_ =	sdelay $0x4  }
0x31: {  	[tilespmem:s19+$0x100] =	vst v0;
	v1 =	vadd.f32 v1, v2  }
0x32: {  	[tilespmem:s19+$0x180] =	vst v0  }
0x33: {  	[tilespmem:s22+$0x0] =	vst v1  }
0x34: {  	[tilespmem:s22+$0x80] =	vst v1  }
0x35: {  	[tilespmem:s22+$0x100] =	vst v1  }
0x36: {  	[tilespmem:s22+$0x180] =	vst v1  }
0x37: {  	[hbm4b:s5+s15] =	stream.strided.scatter [tilespmem:s3], [sflag:$0x1], $0x19000, s16, s15, $0x38;
	[tilespmem:$0x19000] =	vst v63  }
0x38: {  	_ = 	snop  }
0x39: {  	[hbm4b:s6+s15] =	stream.strided.scatter [tilespmem:s3], [sflag:$0x1], $0x19000, s16, s15, $0x38;
	[tilespmem:$0x19000] =	vst v63  }
0x3a: {  	_ = 	snop  }
0x3b: {  	[hbm4b:s7+s15] =	stream.strided.scatter [tilespmem:s3], [sflag:$0x1], $0x19000, s16, s15, $0x38;
	[tilespmem:$0x19000] =	vst v63  }
0x3c: {  	_ = 	snop  }
0x3d: {  	[hbm4b:s8+s15] =	stream.strided.scatter [tilespmem:s3], [sflag:$0x1], $0x19000, s16, s15, $0x38;
	[tilespmem:$0x19000] =	vst v63  }
0x3e: {  	_ = 	snop  }
0x3f: {  	[hbm4b:s9+s15] =	stream.strided.scatter [tilespmem:s3], [sflag:$0x1], $0x19000, s16, s15, $0x38;
	[tilespmem:$0x19000] =	vst v63  }
0x40: {  	_ = 	snop  }
0x41: {  	[hbm4b:s10+s15] =	stream.strided.scatter [tilespmem:s3], [sflag:$0x1], $0x19000, s16, s15, $0x38;
	[tilespmem:$0x19000] =	vst v63  }
0x42: {  	_ = 	snop  }
0x43: {  	[hbm4b:s11+s15] =	stream.strided.scatter [tilespmem:s3], [sflag:$0x1], $0x19000, s16, s15, $0x38;
	[tilespmem:$0x19000] =	vst v63  }
0x44: {  	_ = 	snop  }
0x45: {  	[hbm4b:s12+s15] =	stream.strided.scatter [tilespmem:s3], [sflag:$0x1], $0x19000, s16, s15, $0x38;
	[tilespmem:$0x19000] =	vst v63  }
0x46: {  	_ =	swait.ge [sflag:s17], $0x19000  }
0x47: {  	[sflag:s17] =	ssyncset.done $0x0  }
0x48: {  	[sflag:s17] =	ssyncadd.s32 $0xFFFE7000  }
0x49: {  	_ =	swait.ge [sflag:s17], $0x19000  }
0x4a: {  	[sflag:s17] =	ssyncset.done $0x0  }
0x4b: {  	[sflag:s17] =	ssyncadd.s32 $0xFFFE7000  }
0x4c: {  	_ =	swait.ge [sflag:s17], $0x19000  }
0x4d: {  	[sflag:s17] =	ssyncset.done $0x0  }
0x4e: {  	[sflag:s17] =	ssyncadd.s32 $0xFFFE7000  }
0x4f: {  	_ =	swait.ge [sflag:s17], $0x19000  }
0x50: {  	[sflag:s17] =	ssyncset.done $0x0  }
0x51: {  	[sflag:s17] =	ssyncadd.s32 $0xFFFE7000  }
0x52: {  	_ =	swait.ge [sflag:s17], $0x19000  }
0x53: {  	[sflag:s17] =	ssyncset.done $0x0  }
0x54: {  	[sflag:s17] =	ssyncadd.s32 $0xFFFE7000  }
0x55: {  	_ =	swait.ge [sflag:s17], $0x19000  }
0x56: {  	[sflag:s17] =	ssyncset.done $0x0  }
0x57: {  	s18 =	sadd.s32 $0x1, s18;
	[sflag:s17] =	ssyncadd.s32 $0xFFFE7000  }
0x58: {  	p0 =	sne.s32 s18, s13;
	_ =	swait.ge [sflag:s17], $0x19000  }
.Ltmp3:
0x59: {  	[sflag:s17] =	ssyncset.done $0x0;
	(pc) =	sbr.rel @p0 .LBB2_1-.Ltmp3, $4  }
0x5a: {  	[sflag:s17] =	ssyncadd.s32 $0xFFFE7000  }
0x5b: {  	_ =	swait.ge [sflag:s17], $0x19000  }
0x5c: {  	[sflag:s17] =	ssyncset.done $0x0  }
0x5d: {  	[sflag:s17] =	ssyncadd.s32 $0xFFFE7000  }
0x5e: {  	_ =	sfence.sel $0x180000  }
0x5f: {  	[bflag:$0x0] =	sbarrier.arrive $0xFFFF  }
0x60: {  	p0 =	sne.s32 s0, $0x0;
	_ =	strace $0x90000047  }
0x61: {  	s0 =	sadd.s32 @!p0 $0x100000, s1;
	[bflag:$0x2] =	sbarrier.arrive $0xFFFF  }
0x62: {  	[sflag:s0] =	ssyncadd.tile.s32 @!p0 $0x1;
	_ =	shalt  }
.Lfunc_end2:
_tile_overlayer_lowered:
.L_overlay_start_2:
0x63: {  	(tag) =	ssettag $0x2  }
0x64: {  	s0 =	rddreg [dreg:$0x0];
	s2 =	stileid.u32  }
0x65: {  	s1 =	rddreg [dreg:$0x1];
	p0 =	sne.s32 s2, $0x0  }
0x66: {  	s3 =	rddreg [dreg:$0x2];
	[bflag:$0x3] =	sbarrier.arrive $0xFFFF;
	s2 =	simm.s32 @!p0 $0x1C02  }
0x67: {  	[timem:s3], [sflag:s2] =	dma.local @!p0 [hbm:s0], s1  }
0x68: {  	s0 =	simm.s32 @!p0 $0x2  }
0x69: {  	_ =	swait.ge @!p0 [sflag:s0], s1  }
0x6a: {  	s1 =	ssub.s32 @!p0 $0x0, s1;
	[sflag:s0] =	ssyncset.done @!p0 $0x0  }
0x6b: {  	[sflag:s0] =	ssyncadd.s32 @!p0 s1  }
0x6c: {  	[bflag:$0x3] =	sbarrier.arrive $0xFFFF  }
0x6d: {  	_ =	shalt  }

// kernel: sparse-core-data-format-call.cloned.1.call-start
scs
called_computation_lowered:
.L_overlay_start_0:
0x0: {  	s2 =	sld [smem:$0x3FD9]  }
0x1: {  	s3 =	sld [smem:$0x3FFE];
	_ =	sdelay $0x1  }
0x2: {  	s1 =	srdreg.scid  }
0x3: {  	s0 =	sand.u32 $0x1, s1  }
0x4: {  	s18 =	sshll.u32 s0, $0xA;
	s2 =	sadd.s32 s3, s2  }
0x5: {  	s2 =	sadd.s32 s2, s18  }
0x6: {  	[smem:$0x3FC6] =	sst s2  }
0x7: {  	_ = 	snop  }
0x8: {  	s2 =	sld [smem:$0x3FD0];
	(tm) =	ssettm $0x1  }
0x9: {  	s19 =	sld [smem:$0x3FFB];
	_ =	sdelay $0x3  }
0xa: {  	_ =	strace s19  }
0xb: {  	s3 =	sld [smem:$0x3FFC];
	_ =	sdelay $0x3  }
0xc: {  	_ =	strace s3  }
0xd: {  	s3 =	sld [smem:$0x3FFD];
	_ =	sdelay $0x3  }
0xe: {  	_ =	strace s3  }
0xf: {  	_ =	strace $0x8FFFFFFF  }
0x10: {  	s20 =	sld [smem:$0x3FDB];
	_ =	sdelay $0x1  }
0x11: {  	s4 =	simm.s32 $_scs_section_size  }
0x12: {  	s5 =	simm.s32 $_size__tile_overlayer_lowered;
	s6 =	simm.s32 $_tile_overlayer_lowered  }
0x13: {  	s23 =	simm.s32 $0x1BFF;
	s22 =	sshll.u32 s6, $0x1;
	s3 =	sadd.s32 s4, s20  }
0x14: {  	s7 =	simm.s32 $0x0;
	s21 =	sshll.u32 s5, $0x1;
	s5 =	sadd.s32 s22, s3  }
0x15: {  	[timem:s7], [sflag:s23] =	dma.local [hbm:s5], s21  }
0x16: {  	_ =	swait.ge [sflag:s23], s21  }
0x17: {  	s4 =	ssub.s32 $0x0, s21;
	[sflag:s23] =	ssyncset.done $0x0  }
0x18: {  	[sflag:s23] =	ssyncadd.s32 s4;
	_ =	sdelay $0x1  }
0x19: {  	s24 =	simm.s32 $0x1B8B  }
0x1a: {  	_ =	swait.ge [sflag:s24], $0x1  }
0x1b: {  	[sflag:s24] =	ssyncset.done $0x0  }
0x1c: {  	s26 =	simm.s32 $0x1B8E;
	s25 =	sld [smem:$0x3FFE];
	[sflag:s24] =	ssyncadd.s32 $0xFFFFFFFF  }
0x1d: {  	s27 =	simm.s32 $execute0_lowered;
	[smem:$0x3FD2] =	sst s26  }
0x1e: {  	s5 =	sshll.u32 s27, $0x1;
	_ =	strace $0x80000049;
	[dreg:$0x1] =	wrdreg $0xFFFFFFFF  }
0x1f: {  	s28 =	simm.s32 $_size_execute0_lowered;
	s3 =	sadd.s32 s3, s5;
	[dreg:$0x0] =	wrdreg $0x0  }
0x20: {  	s5 =	sshll.u32 s28, $0x1;
	[dreg:$0x2] =	wrdreg s3  }
0x21: {  	[dreg:$0x3] =	wrdreg s5  }
0x22: {  	[dreg:$0x4] =	wrdreg $0xC0  }
0x23: {  	_ =	task [dreg:s7], $0x5FFFF  }
0x24: {  	[dreg:$0x1] =	wrdreg $0xFFFFFFFF  }
0x25: {  	[dreg:$0x0] =	wrdreg $0x60  }
0x26: {  	[dreg:$0x2] =	wrdreg s25  }
0x27: {  	[dreg:$0x3] =	wrdreg s2  }
0x28: {  	[dreg:$0x4] =	wrdreg $0x9  }
0x29: {  	_ =	task.clear_ibuf [dreg:s7], $0x5FFFF;
	_ =	strace $0x90000049  }
0x2a: {  	s29 =	simm.s32 $0x9;
	_ =	strace $0x8000004B  }
0x2b: {  	_ =	swait.ge [sflag:s29], $0x1  }
0x2c: {  	[sflag:s29] =	ssyncadd.s32 $0xFFFFFFFF  }
0x2d: {  	_ =	strace $0x9000004B  }
0x2e: {  	_ =	sfence  }
0x2f: {  	s30 =	sld [smem:$0x0];
	_ =	sdelay $0x2  }
0x30: {  	s31 =	sshll.u32 s1, $0xD;
	s1 =	sshrl.u32 s1, $0x2  }
0x31: {  	s3 =	sand.u32 $0x4000, s31;
	s1 =	sadd.s32 s1, s30  }
0x32: {  	s0 =	sor.u32 s3, s0;
	s1 =	sshll.u32 s1, $0x11  }
0x33: {  	s0 =	sor.u32 s1, s0  }
0x34: {  	s0 =	sadd.s32 $0x8F2B, s0  }
0x35: {  	[sflag:s0] =	ssyncadd.remote.s32 $0x1  }
0x36: {  	_ =	sfence.sel $0xFFFF  }
0x37: {  	[dreg:$0x0] =	wrdreg $0xFFFFFFFF;
	(pc) =	sbr.abs _section_cstart, $3  }
0x38: {  	[dreg:$0x1] =	wrdreg $0xFFFFFFFF  }
0x39: {  	_ =	task.clear_ibuf [dreg:s7], $0x2FFFF;
	_ =	strace $0x9FFFFFFF  }
0x3a: {  	(tm) =	ssettm $0x7FFFFFFF  }
0x3b: {  	_ =	shalt  }
tec
execute0_lowered:
.L_overlay_start_1:
0x0: {  	(tag) =	ssettag $0x1  }
0x1: {  	s8 =	rddreg [dreg:$0x0]  }
0x2: {  	s0 =	srdreg.scid;
	s2 =	rddreg [dreg:$0x1]  }
0x3: {  	s1 =	stileid.u32;
	s31 =	simm.s32 $0x2;
	s14 =	simm.s32 $0x0  }
0x4: {  	s16 =	simm.s32 $0x0;
	s15 =	simm.s32 $0x0;
	s0 =	sshll.u32 s0, $0x4  }
0x5: {  	s28 =	sshll.u32 s1, $0xD;
	s4 =	sshll.u32 s1, $0x6;
	s3 =	sand.u32 $0x10, s0  }
0x6: {  	s0 =	rddreg [dreg:$0x2];
	s4 =	sand.u32 $0x80, s4;
	s3 =	sor.u32 s1, s3  }
0x7: {  	_ =	strace $0x8000004A;
	s10 =	ssub.s32 $0x100, s4;
	s5 =	sshll.u32 s3, $0x5  }
0x8: {  	s3 =	sand.u32 $0x1, s1;
	s29 =	sshrl.u32 s10, $0x7;
	s10 =	sshrl.u32 s10, $0x8  }
0x9: {  	s6 =	sor.u32 s28, s5;
	s5 =	sand.u32 $0x380, s5;
	s7 =	ssub.s32 $0x64, s3  }
0xa: {  	s9 =	sshrl.u32 s7, $0x1;
	s7 =	sand.u32 $0x1, s7;
	s11 =	ssub.s32 $0x400, s5  }
0xb: {  	s30 =	sand.u32 $0x4380, s6;
	s7 =	sadd.s32 s7, s9;
	s9 =	sand.u32 $0x1, s29  }
0xc: {  	s6 =	simm.s32 $0x1;
	s12 =	sand.u32 $0x380, s11;
	s9 =	sadd.s32 s10, s9  }
0xd: {  	p0 =	sne.s32 s12, $0x0;
	s10 =	simm.s32 $0x1;
	s7 =	smul.u32 s7, s9  }
.Ltmp0:
0xe: {  	s11 =	sshrl.u32 s11, $0xA;
	s10 =	simm.s32 @!p0 $0x0;
	(pc) =	sbr.rel .LBB1_1-.Ltmp0, $4  }
0xf: {  	s13 =	simm.s32 $0x0;
	[sflag:s6] =	ssyncpa.u1 $0x0;
	s10 =	sadd.s32 s10, s11  }
0x10: {  	s8 =	sadd.s32 s30, s8;
	[sflag:s31] =	ssyncpa.u1 $0x0;
	s7 =	smul.u32 s10, s7  }
0x11: {  	s8 =	sadd.s32 $0x800, s8;
	s12 =	smov.u32 s3;
	p0 =	por $0x0, $0x0  }
0x12: {  	s11 =	simm.s32 $0x800;
	s10 =	simm.s32 $0x400;
	s9 =	sadd.s32 $0x1, s7  }
.LBB1_4:
0x13: {  	v5 =	vld [tilespmem:s20+$0xFFFFFFD0];
	[tilespmem:s19+$0x2040 ss:$0x81] =	vst.msk $0xffff, v1  }
0x14: {  	v58 =	vld [tilespmem:s20+$0xFFFFFFE0];
	[tilespmem:s19+$0x2850 ss:$0x81] =	vst.msk $0xffff, v2  }
0x15: {  	s21 =	sshra.s32 s21, $0x2;
	v59 =	vld [tilespmem:s20+$0xFFFFFFF0];
	[tilespmem:s19+$0x3060 ss:$0x81] =	vst.msk $0xffff, v3  }
0x16: {  	v60 =	vld [tilespmem:s20+$0x0];
	[tilespmem:s19+$0x0 ss:$0x81] =	vst.msk $0xffff, v0;
	s18 =	sadd.s32 s21, s18  }
0x17: {  	v61 =	vld [tilespmem:s20+$0x10];
	[tilespmem:s18+$0x3870 ss:$0x81] =	vst.msk $0xffff, v4  }
0x18: {  	v62 =	vld [tilespmem:s20+$0x20];
	[tilespmem:s18+$0x810 ss:$0x81] =	vst.msk $0xffff, v5  }
0x19: {  	v63 =	vld [tilespmem:s20+$0xFFFFFFC0];
	[tilespmem:s18+$0x1020 ss:$0x81] =	vst.msk $0xffff, v58  }
0x1a: {  	[tilespmem:s18+$0x1830 ss:$0x81] =	vst.msk $0xffff, v59  }
0x1b: {  	[tilespmem:s18+$0x2040 ss:$0x81] =	vst.msk $0xffff, v60  }
0x1c: {  	s15 =	sshll.u32 s15, $0xF;
	s16 =	sadd.s32 s2, s16;
	[tilespmem:s18+$0x2850 ss:$0x81] =	vst.msk $0xffff, v61  }
0x1d: {  	s14 =	sshll.u32 s14, $0x5;
	s15 =	sadd.s32 s15, s16;
	[tilespmem:s18+$0x3060 ss:$0x81] =	vst.msk $0xffff, v62  }
0x1e: {  	s14 =	sadd.s32 s14, s15;
	[tilespmem:s18+$0x0 ss:$0x81] =	vst.msk $0xffff, v63  }
0x1f: {  	[hbm4b:s14+s10] =	stream.strided.scatter [tilespmem:s17], [sflag:$0x2], $0x4000, s11, s10, $0x20;
	[tilespmem:$0x10100] =	vst v63  }
.LBB1_5:
0x20: {  	s17 =	sadd.s32 $0x2, s12  }
0x21: {  	p2 =	sgt.s32 s17, $0x63  }
0x22: {  	s17 =	smov.u32 @p2 s3;
	p2 =	sne.s32 s13, s9  }
.Ltmp1:
0x23: {  	p1 =	slt.u32 s13, $0x2;
	(pc) =	sbr.rel @!p2 .LBB1_6-.Ltmp1, $4  }
0x24: {  	s18 =	sadd.s32 $0x1, s13;
	s14 =	simm.s32 @!p1 $0x2  }
0x25: {  	s15 =	smov.u32 s12;
	p0 =	por !p0, !p0;
	_ =	swait.ge @!p1 [sflag:s14], $0x4000  }
0x26: {  	s16 =	smov.u32 s4;
	s13 =	smov.u32 s18;
	[sflag:s14] =	ssyncset.done @!p1 $0x0  }
0x27: {  	s12 =	smov.u32 s17;
	[sflag:s14] =	ssyncadd.s32 @!p1 $0xFFFFC000;
	s14 =	smov.u32 s5  }
.LBB1_1:
0x28: {  	p1 =	sge.u32 s13, s7  }
0x29: {  	s31 =	sadd.s32 $0xFFFFFFFF, s13;
	s17 =	sxor.u32 @!p1 $0xFFFFFFFF, s13  }
0x2a: {  	s18 =	sshll.u32 @!p1 s12, $0xF;
	s19 =	simm.s32 @!p1 $0x400;
	s17 =	sshll.u32 @!p1 s17, $0xE  }
0x2b: {  	s20 =	simm.s32 @!p1 $0x2000;
	s18 =	sadd.s32 @!p1 s18, s8;
	s17 =	sand.u32 @!p1 $0x4000, s17  }
0x2c: {  	[tilespmem:s17], [sflag:$0x1] =	stream.strided.gather @!p1 [hbm4b:s18+s19], $0x4000, s20, s19, $0x38;
	[tilespmem:$0x10100] =	vst v63  }
0x2d: {  	p1 =	sge.u32 s31, s7  }
.Ltmp2:
0x2e: {  	_ = 	snop;
	(pc) =	sbr.rel @p1 .LBB1_5-.Ltmp2, $1  }
0x2f: {  	_ =	sdelay $0x3  }
0x30: {  	s17 =	simm.s32 $0x1  }
0x31: {  	_ =	swait.ge [sflag:s6], $0x4000;
	s17 =	simm.s32 @!p0 $0x0  }
0x32: {  	[sflag:s6] =	ssyncset.done $0x0;
	s18 =	sshll.u32 s17, $0xE  }
0x33: {  	[sflag:s6] =	ssyncadd.s32 $0xFFFFC000;
	s20 =	sor.u32 $0x40, s18  }
0x34: {  	s17 =	smul.u32 $0x10200, s17;
	v0 =	vld [tilespmem:s20+$0x30]  }
0x35: {  	v3 =	vld [tilespmem:s20+$0xFFFFFFD0]  }
0x36: {  	s17 =	sshrl.u32 s17, $0x2;
	v4 =	vld [tilespmem:s20+$0xFFFFFFE0]  }
0x37: {  	v5 =	vld [tilespmem:s20+$0xFFFFFFF0];
	s18 =	sor.u32 $0x8000, s17  }
0x38: {  	s31 =	sand.u32 $0x1, s13;
	v1 =	vld [tilespmem:s20+$0x0];
	s19 =	sadd.s32 $0x0, s18  }
0x39: {  	v2 =	vld [tilespmem:s20+$0x10];
	s17 =	smul.u32 $0x10200, s31;
	[tilespmem:s19+$0x3870 ss:$0x81] =	vst.msk $0xffff, v0  }
0x3a: {  	[tilespmem:s19+$0x810 ss:$0x81] =	vst.msk $0xffff, v3;
	v3 =	vld [tilespmem:s20+$0x20]  }
0x3b: {  	s17 =	sshrl.u32 s17, $0x2;
	v0 =	vld [tilespmem:s20+$0xFFFFFFC0];
	[tilespmem:s19+$0x1020 ss:$0x81] =	vst.msk $0xffff, v4;
	s20 =	sadd.s32 $0x80, s20  }
0x3c: {  	s21 =	simm.s32 $0x4;
	s22 =	simm.s32 $0x8;
	s17 =	sor.u32 $0x8000, s17;
	[tilespmem:s19+$0x1830 ss:$0x81] =	vst.msk $0xffff, v5;
	v4 =	vld [tilespmem:s20+$0x30]  }
.LBB1_3:
0x3d: {  	p1 =	sne.s32 s22, $0x1FC;
	v5 =	vld [tilespmem:s20+$0xFFFFFFD0];
	[tilespmem:s19+$0x2040 ss:$0x81] =	vst.msk $0xffff, v1  }
0x3e: {  	v6 =	vld [tilespmem:s20+$0xFFFFFFE0];
	[tilespmem:s19+$0x2850 ss:$0x81] =	vst.msk $0xffff, v2  }
0x3f: {  	s23 =	sshra.s32 s21, $0x2;
	s21 =	smov.u32 s22;
	v7 =	vld [tilespmem:s20+$0xFFFFFFF0];
	[tilespmem:s19+$0x3060 ss:$0x81] =	vst.msk $0xffff, v3  }
.Ltmp3:
0x40: {  	v1 =	vld [tilespmem:s20+$0x0];
	[tilespmem:s19+$0x0 ss:$0x81] =	vst.msk $0xffff, v0;
	s19 =	sadd.s32 s23, s18;
	(pc) =	sbr.rel @p1 .LBB1_3-.Ltmp3, $4  }
0x41: {  	v2 =	vld [tilespmem:s20+$0x10];
	[tilespmem:s19+$0x3870 ss:$0x81] =	vst.msk $0xffff, v4  }
0x42: {  	[tilespmem:s19+$0x810 ss:$0x81] =	vst.msk $0xffff, v5;
	v3 =	vld [tilespmem:s20+$0x20]  }
0x43: {  	v0 =	vld [tilespmem:s20+$0xFFFFFFC0];
	[tilespmem:s19+$0x1020 ss:$0x81] =	vst.msk $0xffff, v6;
	s20 =	sadd.s32 $0x80, s20  }
0x44: {  	s22 =	sadd.s32 $0x4, s22;
	v4 =	vld [tilespmem:s20+$0x30];
	[tilespmem:s19+$0x1830 ss:$0x81] =	vst.msk $0xffff, v7  }
.Ltmp4:
0x45: {  	_ = 	snop;
	(pc) =	sbr.rel .LBB1_4-.Ltmp4, $1  }
0x46: {  	_ =	sdelay $0x3  }
.LBB1_6:
0x47: {  	_ =	sfence.sel $0x180000  }
0x48: {  	s2 =	simm.s32 $0x1;
	[bflag:$0x0] =	sbarrier.arrive $0xFFFF  }
0x49: {  	s31 =	simm.s32 $0x2;
	[sflag:s2] =	ssyncpa.u1 $0x1  }
0x4a: {  	[sflag:s31] =	ssyncpa.u1 $0x1  }
0x4b: {  	p0 =	sne.s32 s1, $0x0;
	_ =	strace $0x9000004A  }
0x4c: {  	s0 =	sadd.s32 @!p0 $0x100000, s0;
	[bflag:$0x2] =	sbarrier.arrive $0xFFFF  }
0x4d: {  	[sflag:s0] =	ssyncadd.tile.s32 @!p0 $0x1;
	_ =	shalt  }
.Lfunc_end1:
_tile_overlayer_lowered:
.L_overlay_start_2:
0x4e: {  	(tag) =	ssettag $0x2  }
0x4f: {  	s0 =	rddreg [dreg:$0x0];
	s2 =	stileid.u32  }
0x50: {  	s1 =	rddreg [dreg:$0x1];
	p0 =	sne.s32 s2, $0x0  }
0x51: {  	s3 =	rddreg [dreg:$0x2];
	[bflag:$0x3] =	sbarrier.arrive $0xFFFF;
	s2 =	simm.s32 @!p0 $0x1C01  }
0x52: {  	[timem:s3], [sflag:s2] =	dma.local @!p0 [hbm:s0], s1  }
0x53: {  	s0 =	simm.s32 @!p0 $0x1  }
0x54: {  	_ =	swait.ge @!p0 [sflag:s0], s1  }
0x55: {  	s1 =	ssub.s32 @!p0 $0x0, s1;
	[sflag:s0] =	ssyncset.done @!p0 $0x0  }
0x56: {  	[sflag:s0] =	ssyncadd.s32 @!p0 s1  }
0x57: {  	[bflag:$0x3] =	sbarrier.arrive $0xFFFF  }
0x58: {  	_ =	shalt  }

</sc_bundles>
